<compile_context>
chip_gen: v7x
topology: tpu7x:2x2x1
jax: 0.10.2.dev20260603
libtpu: 0.0.44.dev20260713+nightly
codegen_flags: <defaults>
</compile_context>

<pallas_src>
import jax
import jax.numpy as jnp
from jax.experimental import pallas as pl
from jax.experimental.pallas import tpu as pltpu

_F_IN = 2
_F_OUT = 100000
_BATCH = 128
_PROB_THRESHOLD = 0.1
_BUFFER = max(int(0.05 * _F_OUT), 1)
_ROWS = _BATCH * _F_IN
_V = 2048
_NB = -(-_F_OUT // _V)


def _sample_kernel(x_ref, g_ref, limit_ref, u_ref, out_ref, next_ref,
                   best_ref, idx_ref, any_ref):
    i = pl.program_id(0)
    b = _NB - 1 - i

    @pl.when(i == 0)
    def _init():
        best_ref[...] = jnp.full((_ROWS, 1), -jnp.inf, jnp.float32)
        idx_ref[...] = jnp.zeros((_ROWS, 1), jnp.int32)
        any_ref[...] = jnp.zeros((_ROWS, 1), jnp.int32)

    x = x_ref[...]
    g = g_ref[...]
    limit = limit_ref[...]

    col = jax.lax.broadcasted_iota(jnp.int32, (_ROWS, _V), 1) + b * _V
    rows = jax.lax.broadcasted_iota(jnp.int32, (_ROWS, _V), 0)
    valid = col < _F_OUT
    ge = x >= _PROB_THRESHOLD

    odd = (rows % 2) == 1
    anyloc = jnp.max((ge & valid & (col >= 1)).astype(jnp.int32),
                     axis=1, keepdims=True)
    any_ref[...] = jnp.maximum(any_ref[...], anyloc)

    keep = ge & (col <= limit) & valid
    any_full = jnp.broadcast_to(any_ref[...] > 0, (_ROWS, _V))
    keep = keep & ~(odd & (col == 0) & any_full)

    out_ref[...] = jnp.where(keep, x, 0.0)

    score = jnp.where(keep, jnp.log(jnp.maximum(x, 1e-30)) + g, -jnp.inf)
    m = jnp.max(score, axis=1, keepdims=True)
    cand = jnp.where(score == m, col, jnp.int32(2 ** 30))
    am = jnp.min(cand, axis=1, keepdims=True)
    take = m >= best_ref[...]
    idx_ref[...] = jnp.where(take, am, idx_ref[...])
    best_ref[...] = jnp.where(take, m, best_ref[...])

    @pl.when(i == _NB - 1)
    def _fin():
        bins = idx_ref[...].astype(jnp.float32)
        nt = (bins + u_ref[...]) / _F_OUT
        r1 = jax.lax.broadcasted_iota(jnp.int32, (_ROWS, 1), 0)
        even = (r1 % 2) == 0
        nt = jnp.where(even & (nt < 1.0 / _F_OUT), 0.0, nt)
        next_ref[...] = nt


def kernel(x_last, prev_token):
    x = x_last.reshape(_ROWS, _F_OUT)
    kk = jax.random.key(42)
    ks, kn = jax.random.split(kk)
    g = jax.random.gumbel(ks, (_ROWS, _F_OUT), jnp.float32)
    u = jax.random.uniform(kn, (_BATCH, _F_IN), jnp.float32).reshape(_ROWS, 1)
    pb = (prev_token * _F_OUT).astype(jnp.int32) + _BUFFER
    limit = jnp.stack([pb, jnp.full_like(pb, _F_OUT)], axis=1).reshape(_ROWS, 1)

    out, nt = pl.pallas_call(
        _sample_kernel,
        grid=(_NB,),
        in_specs=[
            pl.BlockSpec((_ROWS, _V), lambda i: (0, _NB - 1 - i)),
            pl.BlockSpec((_ROWS, _V), lambda i: (0, _NB - 1 - i)),
            pl.BlockSpec((_ROWS, 1), lambda i: (0, 0)),
            pl.BlockSpec((_ROWS, 1), lambda i: (0, 0)),
        ],
        out_specs=[
            pl.BlockSpec((_ROWS, _V), lambda i: (0, _NB - 1 - i)),
            pl.BlockSpec((_ROWS, 1), lambda i: (0, 0)),
        ],
        out_shape=[
            jax.ShapeDtypeStruct((_ROWS, _F_OUT), jnp.float32),
            jax.ShapeDtypeStruct((_ROWS, 1), jnp.float32),
        ],
        scratch_shapes=[
            pltpu.VMEM((_ROWS, 1), jnp.float32),
            pltpu.VMEM((_ROWS, 1), jnp.int32),
            pltpu.VMEM((_ROWS, 1), jnp.int32),
        ],
    )(x, g, limit, u)
    return nt.reshape(_BATCH, _F_IN), out.reshape(_BATCH, _F_IN, _F_OUT)

# --- scband reference (transcript-rebuilt; emitter-appended) ---
"""Pipeline reference for scband-transformer-base-84275848282335 (READ-ONLY COPY).

The authoritative reference and input builder live on the scoring server;
editing this copy changes nothing except your own understanding.
"""

import jax, jax.numpy as jnp
import numpy as np

F_IN = 2
F_OUT = 100000
BATCH = 128
TEMPERATURE = 1.0
PROB_THRESHOLD = 0.1
BUFFER = max(int(0.05 * F_OUT), 1)


def setup_inputs(seed: int = 0) -> dict:
    key = jax.random.key(seed)
    k1, k2 = jax.random.split(key)
    x_last = jax.random.uniform(k1, (BATCH, F_IN, F_OUT), dtype=jnp.float32)
    prev_token = jax.random.uniform(k2, (BATCH,), dtype=jnp.float32)
    return {"x_last": x_last, "prev_token": prev_token}


def _set_to_zero(x, mask):
    return jnp.where(mask, 0.0, x)


def _mask_probs(x_last, prev_token):
    # temperature scaling (generate step, t > 1 branch)
    x = x_last / TEMPERATURE
    # secondary-feature zeroing: if any non-first bin prob >= threshold, zero bin 0
    for iparam in range(1, F_IN):
        mask = jnp.any(x[:, iparam, 1:] >= PROB_THRESHOLD, axis=1)
        x = x.at[:, iparam, 0].set(_set_to_zero(x[:, iparam, 0], mask))
    # cutoff: bins above previous token's bin (+ buffer) are suppressed
    previous_token_bin = (prev_token * F_OUT).astype(jnp.int32) + BUFFER
    bin_indices = jnp.arange(F_OUT, dtype=jnp.int32)
    mask = bin_indices[None, :] > previous_token_bin[:, None]
    mask = mask & (x[:, 0, :] >= PROB_THRESHOLD)
    x = x.at[:, 0, :].set(_set_to_zero(x[:, 0, :], mask))
    # global probability threshold
    x = _set_to_zero(x, x < PROB_THRESHOLD)
    return x


def reference(x_last, prev_token):
    x = _mask_probs(x_last, prev_token)
    # Categorical(probs=x_flat).sample() -> categorical over log-probs
    flat = x.reshape(-1, F_OUT)
    logits = jnp.where(flat > 0, jnp.log(jnp.maximum(flat, 1e-30)), -jnp.inf)
    kk = jax.random.key(42)
    ks, kn = jax.random.split(kk)
    bins = jax.random.categorical(ks, logits).astype(jnp.float32).reshape(-1, F_IN)
    uniform_noise = jax.random.uniform(kn, bins.shape, dtype=jnp.float32)
    next_token = (bins + uniform_noise) / F_OUT
    next_token = next_token.at[:, 0].set(
        _set_to_zero(next_token[:, 0], next_token[:, 0] < 1.0 / F_OUT)
    )
    return next_token, x

if __name__ == "__main__":
    import jax
    _d = setup_inputs()
    print(jax.jit(kernel)(*tuple(_d.values())))

</pallas_src>

<mosaic_0001>
module attributes {stable_mosaic.version = 14 : i64} {
  func.func @_sample_kernel(%arg0: i32, %arg1: memref<256x2048xf32, #tpu.memory_space<vmem>>, %arg2: memref<256x2048xf32, #tpu.memory_space<vmem>>, %arg3: memref<256x1xi32, #tpu.memory_space<vmem>>, %arg4: memref<256x1xf32, #tpu.memory_space<vmem>>, %arg5: memref<256x2048xf32, #tpu.memory_space<vmem>>, %arg6: memref<256x1xf32, #tpu.memory_space<vmem>>, %arg7: memref<256x1xf32, #tpu.memory_space<vmem>>, %arg8: memref<256x1xi32, #tpu.memory_space<vmem>>, %arg9: memref<256x1xi32, #tpu.memory_space<vmem>>) attributes {dimension_semantics = [#tpu.dimension_semantics<arbitrary>], iteration_bounds = array<i64: 49>, scalar_prefetch = 0 : i64, scratch_operands = 3 : i64, tpu.core_type = #tpu.core_type<tc>, window_params = [{transform_indices = @transform_0, window_bounds = array<i64: 256, 2048>}, {transform_indices = @transform_1, window_bounds = array<i64: 256, 2048>}, {pipeline_mode = #tpu.pipeline_mode<synchronous>, transform_indices = @transform_2, window_bounds = array<i64: 256, 1>}, {pipeline_mode = #tpu.pipeline_mode<synchronous>, transform_indices = @transform_3, window_bounds = array<i64: 256, 1>}, {transform_indices = @transform_4, window_bounds = array<i64: 256, 2048>}, {pipeline_mode = #tpu.pipeline_mode<synchronous>, transform_indices = @transform_5, window_bounds = array<i64: 256, 1>}]} {
    %sub3A = arith.constant 48 : i32
    %sub3A_0 = arith.subi %sub3A, %arg0 : i32
    %eq3A = arith.constant 0 : i32
    %eq3A_1 = arith.cmpi eq, %arg0, %eq3A : i32
    %convert_element_type3A = arith.extui %eq3A_1 : i1 to i32
    %cond3A = arith.constant 0 : i32
    %cond3A_2 = arith.cmpi ne, %convert_element_type3A, %cond3A : i32
    scf.if %cond3A_2 {
      %broadcast_in_dim3A_113 = arith.constant 0xFF800000 : f32
      %broadcast_in_dim3A_114 = vector.broadcast %broadcast_in_dim3A_113 : f32 to vector<256x1xf32>
      %swap3A_115 = arith.constant 0 : index
      %swap3A_116 = arith.constant 0 : index
      %swap3A_117 = vector.load %arg7[%swap3A_115, %swap3A_116] : memref<256x1xf32, #tpu.memory_space<vmem>>, vector<256x1xf32>
      tpu.vector_store %arg7[%swap3A_115, %swap3A_116], %broadcast_in_dim3A_114 {strides = array<i32>} : memref<256x1xf32, #tpu.memory_space<vmem>>, vector<256x1xf32>,
      %broadcast_in_dim3A_118 = arith.constant 0 : i32
      %broadcast_in_dim3A_119 = vector.broadcast %broadcast_in_dim3A_118 : i32 to vector<256x1xi32>
      %swap3A_120 = arith.constant 0 : index
      %swap3A_121 = arith.constant 0 : index
      %swap3A_122 = vector.load %arg8[%swap3A_120, %swap3A_121] : memref<256x1xi32, #tpu.memory_space<vmem>>, vector<256x1xi32>
      tpu.vector_store %arg8[%swap3A_120, %swap3A_121], %broadcast_in_dim3A_119 {strides = array<i32>} : memref<256x1xi32, #tpu.memory_space<vmem>>, vector<256x1xi32>,
      %broadcast_in_dim3A_123 = arith.constant 0 : i32
      %broadcast_in_dim3A_124 = vector.broadcast %broadcast_in_dim3A_123 : i32 to vector<256x1xi32>
      %swap3A_125 = arith.constant 0 : index
      %swap3A_126 = arith.constant 0 : index
      %swap3A_127 = vector.load %arg9[%swap3A_125, %swap3A_126] : memref<256x1xi32, #tpu.memory_space<vmem>>, vector<256x1xi32>
      tpu.vector_store %arg9[%swap3A_125, %swap3A_126], %broadcast_in_dim3A_124 {strides = array<i32>} : memref<256x1xi32, #tpu.memory_space<vmem>>, vector<256x1xi32>,
    } else {
    }
    %get3A = arith.constant 0 : index
    %get3A_3 = arith.constant 0 : index
    %get3A_4 = vector.load %arg1[%get3A, %get3A_3] : memref<256x2048xf32, #tpu.memory_space<vmem>>, vector<256x2048xf32>
    %get3A_5 = arith.constant 0 : index
    %get3A_6 = arith.constant 0 : index
    %get3A_7 = vector.load %arg2[%get3A_5, %get3A_6] : memref<256x2048xf32, #tpu.memory_space<vmem>>, vector<256x2048xf32>
    %get3A_8 = arith.constant 0 : index
    %get3A_9 = arith.constant 0 : index
    %get3A_10 = vector.load %arg3[%get3A_8, %get3A_9] : memref<256x1xi32, #tpu.memory_space<vmem>>, vector<256x1xi32>
    %iota3A = tpu.iota {dimensions = array<i32: 1>} : vector<256x2048xi32>
    %mul3A = arith.constant 2048 : i32
    %mul3A_11 = arith.muli %sub3A_0, %mul3A : i32
    %add3A = vector.broadcast %mul3A_11 : i32 to vector<256x2048xi32>
    %add3A_12 = arith.addi %iota3A, %add3A : vector<256x2048xi32>
    %iota3A_13 = tpu.iota {dimensions = array<i32: 0>} : vector<256x2048xi32>
    %lt3A = arith.constant 100000 : i32
    %lt3A_14 = vector.broadcast %lt3A : i32 to vector<256x2048xi32>
    %lt3A_15 = arith.cmpi slt, %add3A_12, %lt3A_14 : vector<256x2048xi32>
    %ge3A = arith.constant 1.000000e-01 : f32
    %ge3A_16 = vector.broadcast %ge3A : f32 to vector<256x2048xf32>
    %ge3A_17 = arith.cmpf oge, %get3A_4, %ge3A_16 : vector<256x2048xf32>
    %jit3A = arith.constant 2 : i32
    %eq3A_18 = arith.constant 0 : i32
    %eq3A_19 = arith.cmpi eq, %jit3A, %eq3A_18 : i32
    %jit3A_20 = arith.constant 1 : i32
    %select_n3A = arith.select %eq3A_19, %jit3A_20, %jit3A : i32
    %rem3A = vector.broadcast %select_n3A : i32 to vector<256x2048xi32>
    %rem3A_21 = arith.remsi %iota3A_13, %rem3A : vector<256x2048xi32>
    %ne3A = arith.constant 0 : i32
    %ne3A_22 = vector.broadcast %ne3A : i32 to vector<256x2048xi32>
    %ne3A_23 = arith.cmpi ne, %rem3A_21, %ne3A_22 : vector<256x2048xi32>
    %lt3A_24 = arith.constant 0 : i32
    %lt3A_25 = vector.broadcast %lt3A_24 : i32 to vector<256x2048xi32>
    %lt3A_26 = arith.cmpi slt, %rem3A_21, %lt3A_25 : vector<256x2048xi32>
    %lt3A_27 = arith.constant 0 : i32
    %lt3A_28 = arith.cmpi slt, %select_n3A, %lt3A_27 : i32
    %ne3A_29 = vector.broadcast %lt3A_28 : i1 to vector<256x2048xi1>
    %ne3A_30 = vector.broadcast %ne3A_29 : vector<256x2048xi1> to vector<256x2048xi1>
    %ne3A_31 = arith.xori %lt3A_26, %ne3A_30 : vector<256x2048xi1>
    %and3A = arith.andi %ne3A_31, %ne3A_23 : vector<256x2048xi1>
    %add3A_32 = vector.broadcast %select_n3A : i32 to vector<256x2048xi32>
    %add3A_33 = arith.addi %rem3A_21, %add3A_32 : vector<256x2048xi32>
    %select_n3A_34 = arith.select %and3A, %add3A_33, %rem3A_21 : vector<256x2048xi1>, vector<256x2048xi32>
    %eq3A_35 = arith.constant 1 : i32
    %eq3A_36 = vector.broadcast %eq3A_35 : i32 to vector<256x2048xi32>
    %eq3A_37 = arith.cmpi eq, %select_n3A_34, %eq3A_36 : vector<256x2048xi32>
    %and3A_38 = arith.andi %ge3A_17, %lt3A_15 : vector<256x2048xi1>
    %ge3A_39 = arith.constant 1 : i32
    %ge3A_40 = vector.broadcast %ge3A_39 : i32 to vector<256x2048xi32>
    %ge3A_41 = arith.cmpi sge, %add3A_12, %ge3A_40 : vector<256x2048xi32>
    %and3A_42 = arith.andi %and3A_38, %ge3A_41 : vector<256x2048xi1>
    %convert_element_type3A_43 = arith.extui %and3A_42 : vector<256x2048xi1> to vector<256x2048xi32>
    %reduce_max3A = arith.constant dense<-2147483648> : vector<256xi32>
    %reduce_max3A_44 = vector.multi_reduction <maxsi>, %convert_element_type3A_43, %reduce_max3A [1] : vector<256x2048xi32> to vector<256xi32>
    %broadcast_in_dim3A = vector.shape_cast %reduce_max3A_44 : vector<256xi32> to vector<256x1xi32>
    %get3A_45 = arith.constant 0 : index
    %get3A_46 = arith.constant 0 : index
    %get3A_47 = vector.load %arg9[%get3A_45, %get3A_46] : memref<256x1xi32, #tpu.memory_space<vmem>>, vector<256x1xi32>
    %max3A = arith.maxsi %get3A_47, %broadcast_in_dim3A : vector<256x1xi32>
    %swap3A = arith.constant 0 : index
    %swap3A_48 = arith.constant 0 : index
    %swap3A_49 = vector.load %arg9[%swap3A, %swap3A_48] : memref<256x1xi32, #tpu.memory_space<vmem>>, vector<256x1xi32>
    tpu.vector_store %arg9[%swap3A, %swap3A_48], %max3A {strides = array<i32>} : memref<256x1xi32, #tpu.memory_space<vmem>>, vector<256x1xi32>,
    %le3A = vector.broadcast %get3A_10 : vector<256x1xi32> to vector<256x2048xi32>
    %le3A_50 = arith.cmpi sle, %add3A_12, %le3A : vector<256x2048xi32>
    %and3A_51 = arith.andi %ge3A_17, %le3A_50 : vector<256x2048xi1>
    %and3A_52 = arith.andi %and3A_51, %lt3A_15 : vector<256x2048xi1>
    %get3A_53 = arith.constant 0 : index
    %get3A_54 = arith.constant 0 : index
    %get3A_55 = vector.load %arg9[%get3A_53, %get3A_54] : memref<256x1xi32, #tpu.memory_space<vmem>>, vector<256x1xi32>
    %gt3A = arith.constant 0 : i32
    %gt3A_56 = vector.broadcast %gt3A : i32 to vector<256x1xi32>
    %gt3A_57 = arith.cmpi sgt, %get3A_55, %gt3A_56 : vector<256x1xi32>
    %broadcast_in_dim3A_58 = vector.shape_cast %gt3A_57 : vector<256x1xi1> to vector<256x1xi1>
    %broadcast_in_dim3A_59 = vector.broadcast %broadcast_in_dim3A_58 : vector<256x1xi1> to vector<256x2048xi1>
    %eq3A_60 = arith.constant 0 : i32
    %eq3A_61 = vector.broadcast %eq3A_60 : i32 to vector<256x2048xi32>
    %eq3A_62 = arith.cmpi eq, %add3A_12, %eq3A_61 : vector<256x2048xi32>
    %and3A_63 = arith.andi %eq3A_37, %eq3A_62 : vector<256x2048xi1>
    %and3A_64 = arith.andi %and3A_63, %broadcast_in_dim3A_59 : vector<256x2048xi1>
    %not3A = arith.constant dense<true> : vector<256x2048xi1>
    %not3A_65 = arith.xori %and3A_64, %not3A : vector<256x2048xi1>
    %and3A_66 = arith.andi %and3A_52, %not3A_65 : vector<256x2048xi1>
    %jit3A_67 = arith.constant 0.000000e+00 : f32
    %broadcast_in_dim3A_68 = vector.broadcast %jit3A_67 : f32 to vector<256x2048xf32>
    %select_n3A_69 = arith.select %and3A_66, %get3A_4, %broadcast_in_dim3A_68 : vector<256x2048xi1>, vector<256x2048xf32>
    %swap3A_70 = arith.constant 0 : index
    %swap3A_71 = arith.constant 0 : index
    %swap3A_72 = vector.load %arg5[%swap3A_70, %swap3A_71] : memref<256x2048xf32, #tpu.memory_space<vmem>>, vector<256x2048xf32>
    tpu.vector_store %arg5[%swap3A_70, %swap3A_71], %select_n3A_69 {strides = array<i32>} : memref<256x2048xf32, #tpu.memory_space<vmem>>, vector<256x2048xf32>,
    %max3A_73 = arith.constant 1.000000e-30 : f32
    %max3A_74 = vector.broadcast %max3A_73 : f32 to vector<256x2048xf32>
    %max3A_75 = arith.maximumf %get3A_4, %max3A_74 : vector<256x2048xf32>
    %log3A = math.log %max3A_75 : vector<256x2048xf32>
    %add3A_76 = arith.addf %log3A, %get3A_7 : vector<256x2048xf32>
    %jit3A_77 = arith.constant 0xFF800000 : f32
    %broadcast_in_dim3A_78 = vector.broadcast %jit3A_77 : f32 to vector<256x2048xf32>
    %select_n3A_79 = arith.select %and3A_66, %add3A_76, %broadcast_in_dim3A_78 : vector<256x2048xi1>, vector<256x2048xf32>
    %reduce_max3A_80 = arith.constant dense<0xFF800000> : vector<256xf32>
    %reduce_max3A_81 = vector.multi_reduction <maximumf>, %select_n3A_79, %reduce_max3A_80 [1] : vector<256x2048xf32> to vector<256xf32>
    %broadcast_in_dim3A_82 = vector.shape_cast %reduce_max3A_81 : vector<256xf32> to vector<256x1xf32>
    %eq3A_83 = vector.broadcast %broadcast_in_dim3A_82 : vector<256x1xf32> to vector<256x2048xf32>
    %eq3A_84 = arith.cmpf oeq, %select_n3A_79, %eq3A_83 : vector<256x2048xf32>
    %jit3A_85 = arith.constant 1073741824 : i32
    %broadcast_in_dim3A_86 = vector.broadcast %jit3A_85 : i32 to vector<256x2048xi32>
    %select_n3A_87 = arith.select %eq3A_84, %add3A_12, %broadcast_in_dim3A_86 : vector<256x2048xi1>, vector<256x2048xi32>
    %reduce_min3A = arith.constant dense<2147483647> : vector<256xi32>
    %reduce_min3A_88 = vector.multi_reduction <minsi>, %select_n3A_87, %reduce_min3A [1] : vector<256x2048xi32> to vector<256xi32>
    %broadcast_in_dim3A_89 = vector.shape_cast %reduce_min3A_88 : vector<256xi32> to vector<256x1xi32>
    %get3A_90 = arith.constant 0 : index
    %get3A_91 = arith.constant 0 : index
    %get3A_92 = vector.load %arg7[%get3A_90, %get3A_91] : memref<256x1xf32, #tpu.memory_space<vmem>>, vector<256x1xf32>
    %ge3A_93 = arith.cmpf oge, %broadcast_in_dim3A_82, %get3A_92 : vector<256x1xf32>
    %get3A_94 = arith.constant 0 : index
    %get3A_95 = arith.constant 0 : index
    %get3A_96 = vector.load %arg8[%get3A_94, %get3A_95] : memref<256x1xi32, #tpu.memory_space<vmem>>, vector<256x1xi32>
    %select_n3A_97 = arith.select %ge3A_93, %broadcast_in_dim3A_89, %get3A_96 : vector<256x1xi1>, vector<256x1xi32>
    %swap3A_98 = arith.constant 0 : index
    %swap3A_99 = arith.constant 0 : index
    %swap3A_100 = vector.load %arg8[%swap3A_98, %swap3A_99] : memref<256x1xi32, #tpu.memory_space<vmem>>, vector<256x1xi32>
    tpu.vector_store %arg8[%swap3A_98, %swap3A_99], %select_n3A_97 {strides = array<i32>} : memref<256x1xi32, #tpu.memory_space<vmem>>, vector<256x1xi32>,
    %get3A_101 = arith.constant 0 : index
    %get3A_102 = arith.constant 0 : index
    %get3A_103 = vector.load %arg7[%get3A_101, %get3A_102] : memref<256x1xf32, #tpu.memory_space<vmem>>, vector<256x1xf32>
    %select_n3A_104 = arith.select %ge3A_93, %broadcast_in_dim3A_82, %get3A_103 : vector<256x1xi1>, vector<256x1xf32>
    %swap3A_105 = arith.constant 0 : index
    %swap3A_106 = arith.constant 0 : index
    %swap3A_107 = vector.load %arg7[%swap3A_105, %swap3A_106] : memref<256x1xf32, #tpu.memory_space<vmem>>, vector<256x1xf32>
    tpu.vector_store %arg7[%swap3A_105, %swap3A_106], %select_n3A_104 {strides = array<i32>} : memref<256x1xf32, #tpu.memory_space<vmem>>, vector<256x1xf32>,
    %eq3A_108 = arith.constant 48 : i32
    %eq3A_109 = arith.cmpi eq, %arg0, %eq3A_108 : i32
    %convert_element_type3A_110 = arith.extui %eq3A_109 : i1 to i32
    %cond3A_111 = arith.constant 0 : i32
    %cond3A_112 = arith.cmpi ne, %convert_element_type3A_110, %cond3A_111 : i32
    scf.if %cond3A_112 {
      %get3A_113 = arith.constant 0 : index
      %get3A_114 = arith.constant 0 : index
      %get3A_115 = vector.load %arg8[%get3A_113, %get3A_114] : memref<256x1xi32, #tpu.memory_space<vmem>>, vector<256x1xi32>
      %convert_element_type3A_116 = arith.sitofp %get3A_115 : vector<256x1xi32> to vector<256x1xf32>
      %get3A_117 = arith.constant 0 : index
      %get3A_118 = arith.constant 0 : index
      %get3A_119 = vector.load %arg4[%get3A_117, %get3A_118] : memref<256x1xf32, #tpu.memory_space<vmem>>, vector<256x1xf32>
      %add3A_120 = arith.addf %convert_element_type3A_116, %get3A_119 : vector<256x1xf32>
      %div3A = arith.constant 1.000000e+05 : f32
      %div3A_121 = vector.broadcast %div3A : f32 to vector<256x1xf32>
      %div3A_122 = arith.divf %add3A_120, %div3A_121 : vector<256x1xf32>
      %iota3A_123 = tpu.iota {dimensions = array<i32: 0>} : vector<256x1xi32>
      %jit3A_124 = arith.constant 2 : i32
      %eq3A_125 = arith.constant 0 : i32
      %eq3A_126 = arith.cmpi eq, %jit3A_124, %eq3A_125 : i32
      %jit3A_127 = arith.constant 1 : i32
      %select_n3A_128 = arith.select %eq3A_126, %jit3A_127, %jit3A_124 : i32
      %rem3A_129 = vector.broadcast %select_n3A_128 : i32 to vector<256x1xi32>
      %rem3A_130 = arith.remsi %iota3A_123, %rem3A_129 : vector<256x1xi32>
      %ne3A_131 = arith.constant 0 : i32
      %ne3A_132 = vector.broadcast %ne3A_131 : i32 to vector<256x1xi32>
      %ne3A_133 = arith.cmpi ne, %rem3A_130, %ne3A_132 : vector<256x1xi32>
      %lt3A_134 = arith.constant 0 : i32
      %lt3A_135 = vector.broadcast %lt3A_134 : i32 to vector<256x1xi32>
      %lt3A_136 = arith.cmpi slt, %rem3A_130, %lt3A_135 : vector<256x1xi32>
      %lt3A_137 = arith.constant 0 : i32
      %lt3A_138 = arith.cmpi slt, %select_n3A_128, %lt3A_137 : i32
      %ne3A_139 = vector.broadcast %lt3A_138 : i1 to vector<256x1xi1>
      %ne3A_140 = vector.broadcast %ne3A_139 : vector<256x1xi1> to vector<256x1xi1>
      %ne3A_141 = arith.xori %lt3A_136, %ne3A_140 : vector<256x1xi1>
      %and3A_142 = arith.andi %ne3A_141, %ne3A_133 : vector<256x1xi1>
      %add3A_143 = vector.broadcast %select_n3A_128 : i32 to vector<256x1xi32>
      %add3A_144 = arith.addi %rem3A_130, %add3A_143 : vector<256x1xi32>
      %select_n3A_145 = arith.select %and3A_142, %add3A_144, %rem3A_130 : vector<256x1xi1>, vector<256x1xi32>
      %eq3A_146 = arith.constant 0 : i32
      %eq3A_147 = vector.broadcast %eq3A_146 : i32 to vector<256x1xi32>
      %eq3A_148 = arith.cmpi eq, %select_n3A_145, %eq3A_147 : vector<256x1xi32>
      %lt3A_149 = arith.constant 9.99999974E-6 : f32
      %lt3A_150 = vector.broadcast %lt3A_149 : f32 to vector<256x1xf32>
      %lt3A_151 = arith.cmpf olt, %div3A_122, %lt3A_150 : vector<256x1xf32>
      %and3A_152 = arith.andi %eq3A_148, %lt3A_151 : vector<256x1xi1>
      %jit3A_153 = arith.constant 0.000000e+00 : f32
      %broadcast_in_dim3A_154 = vector.broadcast %jit3A_153 : f32 to vector<256x1xf32>
      %select_n3A_155 = arith.select %and3A_152, %broadcast_in_dim3A_154, %div3A_122 : vector<256x1xi1>, vector<256x1xf32>
      %swap3A_156 = arith.constant 0 : index
      %swap3A_157 = arith.constant 0 : index
      %swap3A_158 = vector.load %arg6[%swap3A_156, %swap3A_157] : memref<256x1xf32, #tpu.memory_space<vmem>>, vector<256x1xf32>
      tpu.vector_store %arg6[%swap3A_156, %swap3A_157], %select_n3A_155 {strides = array<i32>} : memref<256x1xf32, #tpu.memory_space<vmem>>, vector<256x1xf32>,
    } else {
    }
    return
  }
  func.func @transform_0(%arg0: i32) -> (i32, i32) {
    %sub3A = arith.constant 48 : i32
    %sub3A_0 = arith.subi %sub3A, %arg0 : i32
    %c0_i32 = arith.constant 0 : i32
    %c0_i32_1 = arith.constant 0 : i32
    return %c0_i32, %sub3A_0 : i32, i32
  }
  func.func @transform_1(%arg0: i32) -> (i32, i32) {
    %sub3A = arith.constant 48 : i32
    %sub3A_0 = arith.subi %sub3A, %arg0 : i32
    %c0_i32 = arith.constant 0 : i32
    %c0_i32_1 = arith.constant 0 : i32
    return %c0_i32, %sub3A_0 : i32, i32
  }
  func.func @transform_2(%arg0: i32) -> (i32, i32) {
    %c0_i32 = arith.constant 0 : i32
    %c0_i32_0 = arith.constant 0 : i32
    %c0_i32_1 = arith.constant 0 : i32
    return %c0_i32, %c0_i32_0 : i32, i32
  }
  func.func @transform_3(%arg0: i32) -> (i32, i32) {
    %c0_i32 = arith.constant 0 : i32
    %c0_i32_0 = arith.constant 0 : i32
    %c0_i32_1 = arith.constant 0 : i32
    return %c0_i32, %c0_i32_0 : i32, i32
  }
  func.func @transform_4(%arg0: i32) -> (i32, i32) {
    %sub3A = arith.constant 48 : i32
    %sub3A_0 = arith.subi %sub3A, %arg0 : i32
    %c0_i32 = arith.constant 0 : i32
    %c0_i32_1 = arith.constant 0 : i32
    return %c0_i32, %sub3A_0 : i32, i32
  }
  func.func @transform_5(%arg0: i32) -> (i32, i32) {
    %c0_i32 = arith.constant 0 : i32
    %c0_i32_0 = arith.constant 0 : i32
    %c0_i32_1 = arith.constant 0 : i32
    return %c0_i32, %c0_i32_0 : i32, i32
  }
}

</mosaic_0001>

<sc_bundles>
// kernel: sparse-core-data-format-call.cloned.1.call-start
scs
called_computation_lowered:
.L_overlay_start_0:
0x0: {  	s2 =	sld [smem:$0x3FD9]  }
0x1: {  	s3 =	sld [smem:$0x3FFE];
	_ =	sdelay $0x1  }
0x2: {  	s1 =	srdreg.scid  }
0x3: {  	s0 =	sand.u32 $0x1, s1  }
0x4: {  	s15 =	sshll.u32 s0, $0xA;
	s2 =	sadd.s32 s3, s2  }
0x5: {  	s2 =	sadd.s32 s2, s15  }
0x6: {  	[smem:$0x3FC6] =	sst s2  }
0x7: {  	_ = 	snop  }
0x8: {  	s2 =	sld [smem:$0x3FD0];
	_ =	sdelay $0x2  }
0x9: {  	s16 =	simm.s32 $0xA;
	s4 =	simm.s32 $0x10  }
0xa: {  	[smem:s4], [sflag:s16] =	dma.local [hbm:s2], $0x1  }
0xb: {  	_ =	swait.eq [sflag:s16], $0x1  }
0xc: {  	[sflag:s16] =	ssyncset.done $0x0  }
0xd: {  	[sflag:s16] =	ssyncadd.s32 $0xFFFFFFFF  }
0xe: {  	s17 =	sld [smem:$0x11];
	(tm) =	ssettm $0x1  }
0xf: {  	s18 =	sld [smem:$0x3FFB];
	_ =	sdelay $0x3  }
0x10: {  	_ =	strace s18  }
0x11: {  	s3 =	sld [smem:$0x3FFC];
	_ =	sdelay $0x3  }
0x12: {  	_ =	strace s3  }
0x13: {  	s3 =	sld [smem:$0x3FFD];
	_ =	sdelay $0x3  }
0x14: {  	_ =	strace s3  }
0x15: {  	_ =	strace $0x8FFFFFFF  }
0x16: {  	s19 =	sld [smem:$0x3FDB];
	_ =	sdelay $0x1  }
0x17: {  	s20 =	simm.s32 $_scs_section_size  }
0x18: {  	s5 =	simm.s32 $_size__tile_overlayer_lowered;
	s6 =	simm.s32 $_tile_overlayer_lowered  }
0x19: {  	s23 =	simm.s32 $0x1BFF;
	s22 =	sshll.u32 s6, $0x1;
	s3 =	sadd.s32 s20, s19  }
0x1a: {  	s7 =	simm.s32 $0x0;
	s21 =	sshll.u32 s5, $0x1;
	s5 =	sadd.s32 s22, s3  }
0x1b: {  	[timem:s7], [sflag:s23] =	dma.local [hbm:s5], s21  }
0x1c: {  	_ =	swait.ge [sflag:s23], s21  }
0x1d: {  	s4 =	ssub.s32 $0x0, s21;
	[sflag:s23] =	ssyncset.done $0x0  }
0x1e: {  	[sflag:s23] =	ssyncadd.s32 s4;
	_ =	sdelay $0x1  }
0x1f: {  	s24 =	simm.s32 $0x1B8B  }
0x20: {  	_ =	swait.ge [sflag:s24], $0x1  }
0x21: {  	[sflag:s24] =	ssyncset.done $0x0  }
0x22: {  	s26 =	simm.s32 $0x1B8E;
	s25 =	sld [smem:$0x3FFE];
	[sflag:s24] =	ssyncadd.s32 $0xFFFFFFFF  }
0x23: {  	s27 =	simm.s32 $execute0_lowered;
	[smem:$0x3FD2] =	sst s26  }
0x24: {  	s5 =	sshll.u32 s27, $0x1;
	_ =	strace $0x80000046;
	[dreg:$0x1] =	wrdreg $0xFFFFFFFF  }
0x25: {  	s28 =	simm.s32 $_size_execute0_lowered;
	s3 =	sadd.s32 s3, s5;
	[dreg:$0x0] =	wrdreg $0x0  }
0x26: {  	s5 =	sshll.u32 s28, $0x1;
	[dreg:$0x2] =	wrdreg s3  }
0x27: {  	[dreg:$0x3] =	wrdreg s5  }
0x28: {  	[dreg:$0x4] =	wrdreg $0xC0  }
0x29: {  	_ =	task [dreg:s7], $0x5FFFF  }
0x2a: {  	[dreg:$0x1] =	wrdreg $0xFFFFFFFF  }
0x2b: {  	[dreg:$0x0] =	wrdreg $0x60  }
0x2c: {  	[dreg:$0x2] =	wrdreg s25  }
0x2d: {  	[dreg:$0x3] =	wrdreg s17  }
0x2e: {  	[dreg:$0x4] =	wrdreg $0x9  }
0x2f: {  	_ =	task.clear_ibuf [dreg:s7], $0x5FFFF;
	_ =	strace $0x90000046  }
0x30: {  	s29 =	simm.s32 $0x9;
	_ =	strace $0x80000048  }
0x31: {  	_ =	swait.ge [sflag:s29], $0x1  }
0x32: {  	[sflag:s29] =	ssyncadd.s32 $0xFFFFFFFF  }
0x33: {  	_ =	strace $0x90000048  }
0x34: {  	_ =	sfence  }
0x35: {  	s30 =	sld [smem:$0x0];
	_ =	sdelay $0x2  }
0x36: {  	s31 =	sshll.u32 s1, $0xD;
	s1 =	sshrl.u32 s1, $0x2  }
0x37: {  	s3 =	sand.u32 $0x4000, s31;
	s1 =	sadd.s32 s1, s30  }
0x38: {  	s0 =	sor.u32 s3, s0;
	s1 =	sshll.u32 s1, $0x11  }
0x39: {  	s0 =	sor.u32 s1, s0  }
0x3a: {  	s0 =	sadd.s32 $0x8F2B, s0  }
0x3b: {  	[sflag:s0] =	ssyncadd.remote.s32 $0x1  }
0x3c: {  	_ =	sfence.sel $0xFFFF  }
0x3d: {  	[dreg:$0x0] =	wrdreg $0xFFFFFFFF;
	(pc) =	sbr.abs _section_cstart, $3  }
0x3e: {  	[dreg:$0x1] =	wrdreg $0xFFFFFFFF  }
0x3f: {  	_ =	task.clear_ibuf [dreg:s7], $0x2FFFF;
	_ =	strace $0x9FFFFFFF  }
0x40: {  	(tm) =	ssettm $0x7FFFFFFF  }
0x41: {  	_ =	shalt  }
tec
execute0_lowered:
.L_overlay_start_1:
0x0: {  	(tag) =	ssettag $0x1  }
0x1: {  	s0 =	stileid.u32;
	s7 =	rddreg [dreg:$0x0]  }
0x2: {  	s1 =	srdreg.scid;
	s4 =	rddreg [dreg:$0x1]  }
0x3: {  	s31 =	simm.s32 $0x2;
	s16 =	simm.s32 $0x0;
	p0 =	por $0x0, $0x0  }
0x4: {  	s18 =	simm.s32 $0x0;
	s17 =	simm.s32 $0x0;
	s9 =	simm.s32 $0x0  }
0x5: {  	s10 =	simm.s32 $0x0;
	s2 =	sshll.u32 s0, $0x6;
	s1 =	sshll.u32 s1, $0xA  }
0x6: {  	s11 =	simm.s32 $0x0;
	s1 =	sor.u32 s2, s1;
	s2 =	sand.u32 $0x1, s0  }
0x7: {  	s14 =	simm.s32 $0x0;
	s3 =	sand.u32 $0x780, s1;
	s29 =	ssub.s32 $0x2, s2  }
0x8: {  	s15 =	simm.s32 $0x0;
	s5 =	ssub.s32 $0x18680, s3;
	s6 =	sshrl.u32 s29, $0x1  }
.Ltmp0:
0x9: {  	s8 =	sand.u32 $0x1, s29;
	s5 =	sshrl.u32 s5, $0xB;
	(pc) =	sbr.rel .LBB1_1-.Ltmp0, $4  }
0xa: {  	s1 =	rddreg [dreg:$0x2];
	s6 =	sadd.s32 s8, s6;
	s30 =	sadd.s32 $0x1, s5  }
0xb: {  	_ =	strace $0x80000047;
	s5 =	simm.s32 $0x1;
	s6 =	smul.u32 s6, s30  }
0xc: {  	s7 =	sadd.s32 $0x1E00, s7;
	s13 =	smov.u32 s2;
	[sflag:s5] =	ssyncpa.u1 $0x0  }
0xd: {  	s12 =	smov.u32 s3;
	[sflag:s31] =	ssyncpa.u1 $0x0;
	s8 =	sadd.s32 $0x1, s6  }
.LBB1_4:
0xe: {  	s24 =	sshll.u32 s9, $0x7  }
0xf: {  	s25 =	sshll.u32 s11, $0x3;
	s23 =	sshra.s32 s23, $0x2;
	s31 =	sshra.s32 s10, $0x1F  }
0x10: {  	p1 =	sgt.s32 s10, $0x1;
	s26 =	sand.u32 $0xFFFFFC00, s24;
	s25 =	sand.u32 $0xFFFFFC00, s25  }
0x11: {  	s29 =	ssub.s32 $0x0, s11;
	s24 =	sand.u32 $0x380, s24;
	s25 =	sadd.s32 s25, s26  }
0x12: {  	[tilespmem:s21+$0x2040 ss:$0x81] =	vst.msk $0xffff, v4;
	s26 =	smov.u32 s10;
	s24 =	sor.u32 s24, s25;
	s25 =	sand.u32 s31, s10  }
0x13: {  	[tilespmem:s21+$0x2850 ss:$0x81] =	vst.msk $0xffff, v3;
	s26 =	simm.s32 @!p1 $0x1;
	s24 =	sshrl.u32 s24, $0x7;
	s25 =	sxor.u32 $0xFFFFFFFF, s25  }
0x14: {  	v5 =	vld [tilespmem:s20+$0xFFFFFFD0];
	[tilespmem:s21+$0x3060 ss:$0x81] =	vst.msk $0xffff, v2;
	s30 =	sshra.s32 s9, $0x1F;
	s27 =	smulhi.u32 $0x14F8B59, s24;
	s26 =	sadd.s32 s25, s26  }
0x15: {  	v58 =	vld [tilespmem:s20+$0xFFFFFFE0];
	[tilespmem:s21+$0x0 ss:$0x81] =	vst.msk $0xffff, v0;
	s22 =	sadd.s32 s23, s22;
	s21 =	sand.u32 s30, s9;
	p1 =	sgt.s32 s26, $0x0  }
0x16: {  	v59 =	vld [tilespmem:s20+$0xFFFFFFF0];
	s23 =	ssub.s32 $0x1, s26;
	s26 =	smov.u32 s9;
	s28 =	sshrl.u32 s27, $0x9  }
0x17: {  	v60 =	vld [tilespmem:s20+$0x0];
	s23 =	simm.s32 @p1 $0x0;
	p1 =	sgt.s32 s9, $0x18620;
	s27 =	smin.u32 s11, s29  }
0x18: {  	v61 =	vld [tilespmem:s20+$0x10];
	[tilespmem:s22+$0x3870 ss:$0x81] =	vst.msk $0xffff, v1;
	s26 =	simm.s32 @!p1 $0x18620;
	p1 =	sgt.s32 s27, $0x7F;
	s27 =	ssub.s32 $0x80, s27  }
0x19: {  	v62 =	vld [tilespmem:s20+$0x20];
	[tilespmem:s22+$0x810 ss:$0x81] =	vst.msk $0xffff, v5;
	s25 =	smul.u32 $0x186A0, s28;
	s21 =	ssub.s32 s26, s21;
	s27 =	simm.s32 @p1 $0x0  }
0x1a: {  	v63 =	vld [tilespmem:s20+$0xFFFFFFC0];
	[tilespmem:s22+$0x1020 ss:$0x81] =	vst.msk $0xffff, v58;
	s28 =	sshrl.u32 s11, $0x3;
	s31 =	smul.u32 s27, s23;
	s26 =	sadd.s32 $0xFFFE79E0, s21  }
0x1b: {  	[tilespmem:s22+$0x1830 ss:$0x81] =	vst.msk $0xffff, v59;
	s21 =	ssub.s32 $0x186A0, s21;
	s27 =	smul.u32 $0x186A00, s10;
	p1 =	sgt.s32 s26, $0x7F  }
0x1c: {  	[tilespmem:s22+$0x2040 ss:$0x81] =	vst.msk $0xffff, v60;
	s29 =	sand.u32 $0xF, s28;
	s21 =	simm.s32 @p1 $0x0  }
0x1d: {  	[tilespmem:s22+$0x2850 ss:$0x81] =	vst.msk $0xffff, v61;
	s24 =	ssub.s32 s24, s25;
	s23 =	sadd.s32 s4, s27;
	s20 =	smul.u32 s21, s31  }
0x1e: {  	[tilespmem:s22+$0x3060 ss:$0x81] =	vst.msk $0xffff, v62;
	s30 =	sshll.u32 s24, $0x4;
	s21 =	sadd.s32 s29, s23  }
0x1f: {  	[tilespmem:s22+$0x0 ss:$0x81] =	vst.msk $0xffff, v63;
	s31 =	sand.u32 $0x7, s11;
	s21 =	sadd.s32 s30, s21;
	s20 =	sand.u32 $0x3FFFFFFF, s20  }
0x20: {  	[hbm4b:s21+s31] =	stream.linear.scatter [tilespmem:s19], [sflag:$0x2], s20, $0x20;
	[tilespmem:$0x10100] =	vst v63  }
.LBB1_5:
0x21: {  	p1 =	slt.u32 s15, $0x2  }
0x22: {  	p2 =	sgt.s32 @!p1 s18, $0x1;
	s19 =	sshra.s32 @!p1 s18, $0x1F  }
0x23: {  	s20 =	smov.u32 s18;
	p2 =	por !p2, p1;
	s18 =	sand.u32 @!p1 s19, s18  }
0x24: {  	p3 =	sgt.s32 @!p1 s16, $0x18620;
	s20 =	simm.s32 @p2 $0x1;
	s18 =	sxor.u32 @!p1 $0xFFFFFFFF, s18  }
0x25: {  	s19 =	sshra.s32 @!p1 s16, $0x1F;
	p3 =	por !p3, p1;
	s18 =	sadd.s32 @!p1 s18, s20  }
0x26: {  	s20 =	smov.u32 s16;
	s16 =	sand.u32 @!p1 s19, s16;
	s19 =	ssub.s32 @!p1 $0x0, s17  }
0x27: {  	p2 =	sgt.s32 @!p1 s18, $0x0;
	s18 =	ssub.s32 @!p1 $0x1, s18;
	s20 =	simm.s32 @p3 $0x18620  }
0x28: {  	s17 =	smin.u32 @!p1 s17, s19;
	p2 =	por !p2, p1;
	s16 =	ssub.s32 @!p1 s20, s16  }
0x29: {  	s20 =	smov.u32 s13;
	s18 =	simm.s32 @!p2 $0x0;
	p2 =	sgt.s32 @!p1 s17, $0x7F  }
0x2a: {  	s19 =	sadd.s32 @!p1 $0xFFFE79E0, s16;
	s17 =	ssub.s32 @!p1 $0x80, s17;
	p2 =	por !p2, p1  }
0x2b: {  	s16 =	ssub.s32 @!p1 $0x186A0, s16;
	p3 =	sgt.s32 @!p1 s19, $0x7F;
	s17 =	simm.s32 @!p2 $0x0  }
0x2c: {  	s19 =	sadd.s32 $0x800, s12;
	p2 =	por !p3, p1;
	s17 =	smul.u32 @!p1 s17, s18  }
0x2d: {  	s16 =	simm.s32 @!p2 $0x0;
	p2 =	sgt.s32 s19, $0x1869F;
	s18 =	sadd.s32 $0x2, s13  }
0x2e: {  	s21 =	smov.u32 s14;
	s20 =	smov.u32 @p2 s18  }
0x2f: {  	s16 =	smul.u32 @!p1 s16, s17;
	p3 =	sgt.s32 s20, $0x1;
	s17 =	sadd.s32 $0x80, s14  }
0x30: {  	p0 =	por !p0, !p0;
	s22 =	simm.s32 @!p1 $0x2;
	s21 =	smov.u32 @p3 s17  }
0x31: {  	s19 =	smov.u32 @p2 s3;
	s18 =	smov.u32 s10;
	p2 =	sgt.s32 s21, $0x7F  }
0x32: {  	s10 =	smov.u32 s13;
	s21 =	simm.s32 @p2 $0x0;
	p2 =	sne.s32 s15, s8  }
.Ltmp1:
0x33: {  	s20 =	smov.u32 @p3 s2;
	s17 =	smov.u32 s11;
	(pc) =	sbr.rel @!p2 .LBB1_6-.Ltmp1, $4  }
0x34: {  	s11 =	smov.u32 s14;
	s16 =	sand.u32 @!p1 $0x3FFFFFFF, s16;
	s13 =	smov.u32 s20  }
0x35: {  	_ =	swait.ge @!p1 [sflag:s22], s16;
	s23 =	ssub.s32 @!p1 $0x0, s16;
	s16 =	smov.u32 s9  }
0x36: {  	s15 =	sadd.s32 $0x1, s15;
	s9 =	smov.u32 s12;
	[sflag:s22] =	ssyncset.done @!p1 $0x0  }
0x37: {  	s12 =	smov.u32 s19;
	s14 =	smov.u32 s21;
	[sflag:s22] =	ssyncadd.s32 @!p1 s23  }
.LBB1_1:
0x38: {  	p1 =	sge.u32 s15, s6  }
0x39: {  	s19 =	sshrl.u32 @!p1 s13, $0x1  }
0x3a: {  	s20 =	sshll.u32 @!p1 s12, $0x1;
	s21 =	sshll.u32 @!p1 s13, $0x7;
	s19 =	smul.u32 @!p1 $0x30E00, s19  }
0x3b: {  	s22 =	sand.u32 @!p1 $0x7F, s12;
	s20 =	sand.u32 @!p1 $0xFFFFFF00, s20;
	s21 =	sand.u32 @!p1 $0x80, s21  }
0x3c: {  	s19 =	sadd.s32 @!p1 s19, s20;
	s20 =	sor.u32 @!p1 s22, s21  }
0x3d: {  	s20 =	sor.u32 @!p1 s19, s20;
	s19 =	smulhi.u32 @!p1 $0xA79C7B17, s19  }
0x3e: {  	s21 =	smulhi.u32 @!p1 $0xA79C7B17, s20  }
0x3f: {  	s31 =	sadd.s32 $0xFFFFFFFF, s15  }
0x40: {  	s22 =	sxor.u32 @!p1 $0xFFFFFFFF, s15;
	s19 =	sshrl.u32 @!p1 s19, $0x10;
	s21 =	sshrl.u32 @!p1 s21, $0x10  }
0x41: {  	s22 =	sshll.u32 @!p1 s22, $0xE;
	s19 =	sand.u32 @!p1 $0x1, s19;
	s21 =	smul.u32 @!p1 $0x18700, s21  }
0x42: {  	s23 =	smul.u32 @!p1 $0x61C0, s14;
	s22 =	sand.u32 @!p1 $0x4000, s22;
	p2 =	seq.s32 @!p1 s19, $0x1  }
0x43: {  	p2 =	por !p2, p1;
	s19 =	ssub.s32 @!p1 s20, s21;
	s20 =	simm.s32 @!p1 $0x30E0  }
0x44: {  	s21 =	sadd.s32 @!p1 s7, s23;
	s20 =	simm.s32 @p2 $0x0;
	s23 =	sand.u32 @!p1 $0x7, s19  }
0x45: {  	s19 =	sshrl.u32 @!p1 s19, $0x3;
	s20 =	sadd.s32 @!p1 s20, s21;
	s21 =	sshll.u32 @!p1 s23, $0x12  }
0x46: {  	s19 =	sadd.s32 @!p1 s19, s20;
	s20 =	sor.u32 @!p1 $0x80, s21;
	s21 =	simm.s32 @!p1 $0x30E00  }
0x47: {  	[tilespmem:s22], [sflag:$0x1] =	stream.strided.gather @!p1 [hbm4b:s19+s20], $0x4000, s21, s20, $0x38;
	[tilespmem:$0x10100] =	vst v63  }
0x48: {  	p1 =	sge.u32 s31, s6  }
.Ltmp2:
0x49: {  	_ = 	snop;
	(pc) =	sbr.rel @p1 .LBB1_5-.Ltmp2, $1  }
0x4a: {  	_ =	sdelay $0x3  }
0x4b: {  	s19 =	simm.s32 $0x1  }
0x4c: {  	_ =	swait.ge [sflag:s5], $0x4000;
	s19 =	simm.s32 @!p0 $0x0  }
0x4d: {  	[sflag:s5] =	ssyncset.done $0x0;
	s20 =	sshll.u32 s19, $0xE  }
0x4e: {  	[sflag:s5] =	ssyncadd.s32 $0xFFFFC000;
	s20 =	sor.u32 $0x40, s20  }
0x4f: {  	s19 =	smul.u32 $0x10200, s19;
	v0 =	vld [tilespmem:s20+$0x30]  }
0x50: {  	v1 =	vld [tilespmem:s20+$0xFFFFFFD0]  }
0x51: {  	s19 =	sshrl.u32 s19, $0x2;
	v5 =	vld [tilespmem:s20+$0xFFFFFFE0]  }
0x52: {  	v6 =	vld [tilespmem:s20+$0xFFFFFFF0];
	s22 =	sor.u32 $0x8000, s19  }
0x53: {  	s31 =	sand.u32 $0x1, s15;
	v4 =	vld [tilespmem:s20+$0x0];
	s21 =	sadd.s32 $0x0, s22  }
0x54: {  	v3 =	vld [tilespmem:s20+$0x10];
	s19 =	smul.u32 $0x10200, s31;
	[tilespmem:s21+$0x3870 ss:$0x81] =	vst.msk $0xffff, v0  }
0x55: {  	v2 =	vld [tilespmem:s20+$0x20];
	[tilespmem:s21+$0x810 ss:$0x81] =	vst.msk $0xffff, v1  }
0x56: {  	s19 =	sshrl.u32 s19, $0x2;
	v0 =	vld [tilespmem:s20+$0xFFFFFFC0];
	[tilespmem:s21+$0x1020 ss:$0x81] =	vst.msk $0xffff, v5;
	s20 =	sadd.s32 $0x80, s20  }
0x57: {  	s23 =	simm.s32 $0x4;
	s24 =	simm.s32 $0x8;
	s19 =	sor.u32 $0x8000, s19;
	[tilespmem:s21+$0x1830 ss:$0x81] =	vst.msk $0xffff, v6;
	v1 =	vld [tilespmem:s20+$0x30]  }
.LBB1_3:
0x58: {  	p1 =	sne.s32 s24, $0x1FC;
	v5 =	vld [tilespmem:s20+$0xFFFFFFD0];
	[tilespmem:s21+$0x2040 ss:$0x81] =	vst.msk $0xffff, v4  }
0x59: {  	v6 =	vld [tilespmem:s20+$0xFFFFFFE0];
	[tilespmem:s21+$0x2850 ss:$0x81] =	vst.msk $0xffff, v3  }
0x5a: {  	s25 =	sshra.s32 s23, $0x2;
	s23 =	smov.u32 s24;
	v7 =	vld [tilespmem:s20+$0xFFFFFFF0];
	[tilespmem:s21+$0x3060 ss:$0x81] =	vst.msk $0xffff, v2  }
.Ltmp3:
0x5b: {  	v4 =	vld [tilespmem:s20+$0x0];
	[tilespmem:s21+$0x0 ss:$0x81] =	vst.msk $0xffff, v0;
	s21 =	sadd.s32 s25, s22;
	(pc) =	sbr.rel @p1 .LBB1_3-.Ltmp3, $4  }
0x5c: {  	v3 =	vld [tilespmem:s20+$0x10];
	[tilespmem:s21+$0x3870 ss:$0x81] =	vst.msk $0xffff, v1  }
0x5d: {  	[tilespmem:s21+$0x810 ss:$0x81] =	vst.msk $0xffff, v5;
	v2 =	vld [tilespmem:s20+$0x20]  }
0x5e: {  	v0 =	vld [tilespmem:s20+$0xFFFFFFC0];
	[tilespmem:s21+$0x1020 ss:$0x81] =	vst.msk $0xffff, v6;
	s20 =	sadd.s32 $0x80, s20  }
0x5f: {  	s24 =	sadd.s32 $0x4, s24;
	v1 =	vld [tilespmem:s20+$0x30];
	[tilespmem:s21+$0x1830 ss:$0x81] =	vst.msk $0xffff, v7  }
.Ltmp4:
0x60: {  	_ = 	snop;
	(pc) =	sbr.rel .LBB1_4-.Ltmp4, $1  }
0x61: {  	_ =	sdelay $0x3  }
.LBB1_6:
0x62: {  	_ =	sfence.sel $0x180000  }
0x63: {  	s2 =	simm.s32 $0x1;
	[bflag:$0x0] =	sbarrier.arrive $0xFFFF  }
0x64: {  	s31 =	simm.s32 $0x2;
	[sflag:s2] =	ssyncpa.u1 $0x1  }
0x65: {  	[sflag:s31] =	ssyncpa.u1 $0x1  }
0x66: {  	p0 =	sne.s32 s0, $0x0;
	_ =	strace $0x90000047  }
0x67: {  	s0 =	sadd.s32 @!p0 $0x100000, s1;
	[bflag:$0x2] =	sbarrier.arrive $0xFFFF  }
0x68: {  	[sflag:s0] =	ssyncadd.tile.s32 @!p0 $0x1;
	_ =	shalt  }
.Lfunc_end1:
_tile_overlayer_lowered:
.L_overlay_start_2:
0x69: {  	(tag) =	ssettag $0x2  }
0x6a: {  	s0 =	rddreg [dreg:$0x0];
	s2 =	stileid.u32  }
0x6b: {  	s1 =	rddreg [dreg:$0x1];
	p0 =	sne.s32 s2, $0x0  }
0x6c: {  	s3 =	rddreg [dreg:$0x2];
	[bflag:$0x3] =	sbarrier.arrive $0xFFFF;
	s2 =	simm.s32 @!p0 $0x1C01  }
0x6d: {  	[timem:s3], [sflag:s2] =	dma.local @!p0 [hbm:s0], s1  }
0x6e: {  	s0 =	simm.s32 @!p0 $0x1  }
0x6f: {  	_ =	swait.ge @!p0 [sflag:s0], s1  }
0x70: {  	s1 =	ssub.s32 @!p0 $0x0, s1;
	[sflag:s0] =	ssyncset.done @!p0 $0x0  }
0x71: {  	[sflag:s0] =	ssyncadd.s32 @!p0 s1  }
0x72: {  	[bflag:$0x3] =	sbarrier.arrive $0xFFFF  }
0x73: {  	_ =	shalt  }

</sc_bundles>
